<compile_context>
chip_gen: v7x
topology: tpu7x:2x2x1
jax: 0.10.2.dev20260603
libtpu: 0.0.44.dev20260713+nightly
codegen_flags: <defaults>
</compile_context>

<pallas_src>
import functools

import jax
import jax.numpy as jnp
from jax import lax
from jax.experimental import pallas as pl
from jax.experimental.pallas import tpu as pltpu
from jax.experimental.pallas import tpu_sc as plsc

_WIDTH = 1000
_FEATURE_DIM = 100000
_N = 1024

_INFO = plsc.get_sparse_core_info()
_NW = _INFO.num_cores * _INFO.num_subcores
_ROWS_PER = _N // _NW
_CHUNKS = _ROWS_PER // 16


def _sc_onehot_body(x_hbm, y_hbm, out_hbm, rowbuf, xbuf, ybuf):
    wid = lax.axis_index("s") * _INFO.num_cores + lax.axis_index("c")
    base = wid * _ROWS_PER

    lanes = lax.broadcasted_iota(jnp.int32, (16,), 0)
    ones_f = jnp.ones((16,), jnp.float32)
    zeros_f = jnp.zeros((16,), jnp.float32)

    def zero_body(i, carry):
        rowbuf[pl.ds(pl.multiple_of(i * 16, 16), 16)] = zeros_f
        return carry

    lax.fori_loop(0, _FEATURE_DIM // 16, zero_body, 0, unroll=8)

    for k in range(_CHUNKS):
        cbase = base + k * 16
        pltpu.sync_copy(x_hbm.at[pl.ds(cbase, 16)], xbuf)
        pltpu.sync_copy(y_hbm.at[pl.ds(cbase, 16)], ybuf)
        idxv = xbuf[...] + _WIDTH * ybuf[...]

        def row_body(l, idxv):
            mask = lanes == l
            plsc.store_scatter(rowbuf, [idxv], ones_f, mask=mask)
            pltpu.sync_copy(rowbuf, out_hbm.at[cbase + l])
            plsc.store_scatter(rowbuf, [idxv], zeros_f, mask=mask)
            return idxv

        lax.fori_loop(0, 16, row_body, idxv)


def kernel(state):
    mesh = plsc.VectorSubcoreMesh(core_axis_name="c", subcore_axis_name="s")
    sc_onehot = functools.partial(
        pl.kernel,
        mesh=mesh,
        out_type=jax.ShapeDtypeStruct((_N, _FEATURE_DIM), jnp.float32),
        scratch_types=[
            pltpu.VMEM((_FEATURE_DIM,), jnp.float32),
            pltpu.VMEM((16,), jnp.int32),
            pltpu.VMEM((16,), jnp.int32),
        ],
        compiler_params=pltpu.CompilerParams(needs_layout_passes=False),
    )(_sc_onehot_body)
    return sc_onehot(state[:, 0], state[:, 1])

# --- scband reference (transcript-rebuilt; emitter-appended) ---
"""Pipeline reference for scband-one-hot-basis-3178275799298 (READ-ONLY COPY).

The authoritative reference and input builder live on the scoring server;
editing this copy changes nothing except your own understanding.
"""

import jax, jax.numpy as jnp
import numpy as np

# Module hyperparameters normally set via OneHot_Basis.init(config):
#   env.width = 1000, env.n_observations = 100000 (grid 1000 x 100)
WIDTH = 1000
FEATURE_DIM = 100000
N = 1024

def setup_inputs(seed: int = 0) -> dict:
    key = jax.random.key(seed)
    # state[:, 0] = x coordinate in [0, 100), state[:, 1] = y coordinate in [0, 100)
    # guarantees idx = x + WIDTH * y < FEATURE_DIM
    state = jax.random.randint(key, (N, 2), 0, 100, dtype=jnp.int32)
    return {"state": state}

def reference(state):
    n = state.shape[0]
    # idx = (state[:, :1] + width * state[:, 1:]).long()  -> flat grid index
    idx = state[:, 0] + WIDTH * state[:, 1]
    # output = zeros((N, feature_dim)); output[arange(N), idx] = 1
    output = jnp.zeros((n, FEATURE_DIM), dtype=jnp.float32)
    output = output.at[jnp.arange(n), idx].set(1.0)
    return output

if __name__ == "__main__":
    import jax
    _d = setup_inputs()
    print(jax.jit(kernel)(*tuple(_d.values())))

</pallas_src>

<mosaic_0001>
#map = affine_map<(d0, d1) -> (0)>
#map1 = affine_map<(d0, d1) -> (0, 0)>
module attributes {stable_mosaic.version = 14 : i64} {
  func.func @_sc_onehot_body(%arg0: i32, %arg1: i32, %arg2: memref<1024xi32, #tpu.memory_space<hbm>>, %arg3: memref<1024xi32, #tpu.memory_space<hbm>>, %arg4: memref<1024x100000xf32, #tpu.memory_space<hbm>>, %arg5: memref<100000xf32, #tpu.memory_space<vmem>>, %arg6: memref<16xi32, #tpu.memory_space<vmem>>, %arg7: memref<16xi32, #tpu.memory_space<vmem>>) attributes {dimension_semantics = [#tpu.dimension_semantics<core_parallel>, #tpu.dimension_semantics<subcore_parallel>], iteration_bounds = array<i64: 2, 16>, scalar_prefetch = 0 : i64, scratch_operands = 3 : i64, tpu.core_type = #tpu.core_type<sc_vector_subcore>, window_params = [{transform_indices = #map}, {transform_indices = #map}, {transform_indices = #map1}]} {
    %mul3A = arith.constant 2 : i32
    %mul3A_0 = arith.muli %arg1, %mul3A : i32
    %add3A = arith.addi %mul3A_0, %arg0 : i32
    %mul3A_1 = arith.constant 32 : i32
    %mul3A_2 = arith.muli %add3A, %mul3A_1 : i32
    %iota3A = tpu.iota {dimensions = array<i32: 0>} : vector<16xi32>
    %broadcast_in_dim3A = arith.constant 1.000000e+00 : f32
    %broadcast_in_dim3A_3 = vector.broadcast %broadcast_in_dim3A : f32 to vector<16xf32>
    %broadcast_in_dim3A_4 = arith.constant 0.000000e+00 : f32
    %broadcast_in_dim3A_5 = vector.broadcast %broadcast_in_dim3A_4 : f32 to vector<16xf32>
    %scan3A = arith.constant 0 : i32
    %scan3A_6 = arith.constant 0 : i32
    %scan3A_7 = arith.constant 6248 : i32
    %scan3A_8 = arith.addi %scan3A_6, %scan3A_7 : i32
    %scan3A_9 = arith.constant 8 : i32
    scf.for %scan3A_52 = %scan3A_6 to %scan3A_8 step %scan3A_9  : i32 {
      %mul3A_53 = arith.constant 16 : i32
      %mul3A_54 = arith.muli %scan3A_52, %mul3A_53 : i32
      %multiple_of3A_55 = tpu.assume_multiple %mul3A_54, 16 : i32
      %swap3A_56 = arith.index_cast %multiple_of3A_55 : i32 to index
      %swap3A_57 = tpu.vector_load %arg5[%swap3A_56] {strides = array<i32>} : memref<100000xf32, #tpu.memory_space<vmem>>, vector<16xf32>,
      tpu.vector_store %arg5[%swap3A_56], %broadcast_in_dim3A_5 {strides = array<i32>} : memref<100000xf32, #tpu.memory_space<vmem>>, vector<16xf32>,
      %scan3A_58 = arith.constant 1 : i32
      %scan3A_59 = arith.addi %scan3A_52, %scan3A_58 : i32
      %mul3A_60 = arith.constant 16 : i32
      %mul3A_61 = arith.muli %scan3A_59, %mul3A_60 : i32
      %multiple_of3A_62 = tpu.assume_multiple %mul3A_61, 16 : i32
      %swap3A_63 = arith.index_cast %multiple_of3A_62 : i32 to index
      %swap3A_64 = tpu.vector_load %arg5[%swap3A_63] {strides = array<i32>} : memref<100000xf32, #tpu.memory_space<vmem>>, vector<16xf32>,
      tpu.vector_store %arg5[%swap3A_63], %broadcast_in_dim3A_5 {strides = array<i32>} : memref<100000xf32, #tpu.memory_space<vmem>>, vector<16xf32>,
      %scan3A_65 = arith.constant 2 : i32
      %scan3A_66 = arith.addi %scan3A_52, %scan3A_65 : i32
      %mul3A_67 = arith.constant 16 : i32
      %mul3A_68 = arith.muli %scan3A_66, %mul3A_67 : i32
      %multiple_of3A_69 = tpu.assume_multiple %mul3A_68, 16 : i32
      %swap3A_70 = arith.index_cast %multiple_of3A_69 : i32 to index
      %swap3A_71 = tpu.vector_load %arg5[%swap3A_70] {strides = array<i32>} : memref<100000xf32, #tpu.memory_space<vmem>>, vector<16xf32>,
      tpu.vector_store %arg5[%swap3A_70], %broadcast_in_dim3A_5 {strides = array<i32>} : memref<100000xf32, #tpu.memory_space<vmem>>, vector<16xf32>,
      %scan3A_72 = arith.constant 3 : i32
      %scan3A_73 = arith.addi %scan3A_52, %scan3A_72 : i32
      %mul3A_74 = arith.constant 16 : i32
      %mul3A_75 = arith.muli %scan3A_73, %mul3A_74 : i32
      %multiple_of3A_76 = tpu.assume_multiple %mul3A_75, 16 : i32
      %swap3A_77 = arith.index_cast %multiple_of3A_76 : i32 to index
      %swap3A_78 = tpu.vector_load %arg5[%swap3A_77] {strides = array<i32>} : memref<100000xf32, #tpu.memory_space<vmem>>, vector<16xf32>,
      tpu.vector_store %arg5[%swap3A_77], %broadcast_in_dim3A_5 {strides = array<i32>} : memref<100000xf32, #tpu.memory_space<vmem>>, vector<16xf32>,
      %scan3A_79 = arith.constant 4 : i32
      %scan3A_80 = arith.addi %scan3A_52, %scan3A_79 : i32
      %mul3A_81 = arith.constant 16 : i32
      %mul3A_82 = arith.muli %scan3A_80, %mul3A_81 : i32
      %multiple_of3A_83 = tpu.assume_multiple %mul3A_82, 16 : i32
      %swap3A_84 = arith.index_cast %multiple_of3A_83 : i32 to index
      %swap3A_85 = tpu.vector_load %arg5[%swap3A_84] {strides = array<i32>} : memref<100000xf32, #tpu.memory_space<vmem>>, vector<16xf32>,
      tpu.vector_store %arg5[%swap3A_84], %broadcast_in_dim3A_5 {strides = array<i32>} : memref<100000xf32, #tpu.memory_space<vmem>>, vector<16xf32>,
      %scan3A_86 = arith.constant 5 : i32
      %scan3A_87 = arith.addi %scan3A_52, %scan3A_86 : i32
      %mul3A_88 = arith.constant 16 : i32
      %mul3A_89 = arith.muli %scan3A_87, %mul3A_88 : i32
      %multiple_of3A_90 = tpu.assume_multiple %mul3A_89, 16 : i32
      %swap3A_91 = arith.index_cast %multiple_of3A_90 : i32 to index
      %swap3A_92 = tpu.vector_load %arg5[%swap3A_91] {strides = array<i32>} : memref<100000xf32, #tpu.memory_space<vmem>>, vector<16xf32>,
      tpu.vector_store %arg5[%swap3A_91], %broadcast_in_dim3A_5 {strides = array<i32>} : memref<100000xf32, #tpu.memory_space<vmem>>, vector<16xf32>,
      %scan3A_93 = arith.constant 6 : i32
      %scan3A_94 = arith.addi %scan3A_52, %scan3A_93 : i32
      %mul3A_95 = arith.constant 16 : i32
      %mul3A_96 = arith.muli %scan3A_94, %mul3A_95 : i32
      %multiple_of3A_97 = tpu.assume_multiple %mul3A_96, 16 : i32
      %swap3A_98 = arith.index_cast %multiple_of3A_97 : i32 to index
      %swap3A_99 = tpu.vector_load %arg5[%swap3A_98] {strides = array<i32>} : memref<100000xf32, #tpu.memory_space<vmem>>, vector<16xf32>,
      tpu.vector_store %arg5[%swap3A_98], %broadcast_in_dim3A_5 {strides = array<i32>} : memref<100000xf32, #tpu.memory_space<vmem>>, vector<16xf32>,
      %scan3A_100 = arith.constant 7 : i32
      %scan3A_101 = arith.addi %scan3A_52, %scan3A_100 : i32
      %mul3A_102 = arith.constant 16 : i32
      %mul3A_103 = arith.muli %scan3A_101, %mul3A_102 : i32
      %multiple_of3A_104 = tpu.assume_multiple %mul3A_103, 16 : i32
      %swap3A_105 = arith.index_cast %multiple_of3A_104 : i32 to index
      %swap3A_106 = tpu.vector_load %arg5[%swap3A_105] {strides = array<i32>} : memref<100000xf32, #tpu.memory_space<vmem>>, vector<16xf32>,
      tpu.vector_store %arg5[%swap3A_105], %broadcast_in_dim3A_5 {strides = array<i32>} : memref<100000xf32, #tpu.memory_space<vmem>>, vector<16xf32>,
    }
    %scan3A_10 = arith.constant 6248 : i32
    %scan3A_11 = arith.addi %scan3A_6, %scan3A_10 : i32
    %mul3A_12 = arith.constant 16 : i32
    %mul3A_13 = arith.muli %scan3A_11, %mul3A_12 : i32
    %multiple_of3A = tpu.assume_multiple %mul3A_13, 16 : i32
    %swap3A = arith.index_cast %multiple_of3A : i32 to index
    %swap3A_14 = tpu.vector_load %arg5[%swap3A] {strides = array<i32>} : memref<100000xf32, #tpu.memory_space<vmem>>, vector<16xf32>,
    tpu.vector_store %arg5[%swap3A], %broadcast_in_dim3A_5 {strides = array<i32>} : memref<100000xf32, #tpu.memory_space<vmem>>, vector<16xf32>,
    %scan3A_15 = arith.constant 6249 : i32
    %scan3A_16 = arith.addi %scan3A_6, %scan3A_15 : i32
    %mul3A_17 = arith.constant 16 : i32
    %mul3A_18 = arith.muli %scan3A_16, %mul3A_17 : i32
    %multiple_of3A_19 = tpu.assume_multiple %mul3A_18, 16 : i32
    %swap3A_20 = arith.index_cast %multiple_of3A_19 : i32 to index
    %swap3A_21 = tpu.vector_load %arg5[%swap3A_20] {strides = array<i32>} : memref<100000xf32, #tpu.memory_space<vmem>>, vector<16xf32>,
    tpu.vector_store %arg5[%swap3A_20], %broadcast_in_dim3A_5 {strides = array<i32>} : memref<100000xf32, #tpu.memory_space<vmem>>, vector<16xf32>,
    %scan3A_22 = arith.constant 6250 : i32
    %add3A_23 = arith.constant 0 : i32
    %add3A_24 = arith.addi %mul3A_2, %add3A_23 : i32
    "tpu.region"() ({
      %run_scoped3A = tpu.sem_alloc : memref<!tpu.dma_semaphore, #tpu.memory_space<semaphore_mem>>
      %dma_start3A = tpu.memref_slice %arg2[%add3A_24] : memref<1024xi32, #tpu.memory_space<hbm>> -> memref<16xi32, #tpu.memory_space<hbm>>
      %dma_start3A_52 = tpu.memref_slice %arg2[%add3A_24] : memref<1024xi32, #tpu.memory_space<hbm>> -> memref<16xi32, #tpu.memory_space<hbm>>
      tpu.enqueue_dma source(%dma_start3A_52 : memref<16xi32, #tpu.memory_space<hbm>>) target(%arg6 : memref<16xi32, #tpu.memory_space<vmem>>) target_semaphore(%run_scoped3A : memref<!tpu.dma_semaphore, #tpu.memory_space<semaphore_mem>>)
      %dma_wait3A = tpu.memref_slice %arg2[%add3A_24] : memref<1024xi32, #tpu.memory_space<hbm>> -> memref<16xi32, #tpu.memory_space<hbm>>
      %dma_wait3A_53 = tpu.memref_slice %arg2[%add3A_24] : memref<1024xi32, #tpu.memory_space<hbm>> -> memref<16xi32, #tpu.memory_space<hbm>>
      tpu.wait_dma2 semaphore(%run_scoped3A : memref<!tpu.dma_semaphore, #tpu.memory_space<semaphore_mem>>) src(%dma_wait3A_53 : memref<16xi32, #tpu.memory_space<hbm>>) dst(%arg6 : memref<16xi32, #tpu.memory_space<vmem>>)
      tpu.yield
    }) : () -> ()
    "tpu.region"() ({
      %run_scoped3A = tpu.sem_alloc : memref<!tpu.dma_semaphore, #tpu.memory_space<semaphore_mem>>
      %dma_start3A = tpu.memref_slice %arg3[%add3A_24] : memref<1024xi32, #tpu.memory_space<hbm>> -> memref<16xi32, #tpu.memory_space<hbm>>
      %dma_start3A_52 = tpu.memref_slice %arg3[%add3A_24] : memref<1024xi32, #tpu.memory_space<hbm>> -> memref<16xi32, #tpu.memory_space<hbm>>
      tpu.enqueue_dma source(%dma_start3A_52 : memref<16xi32, #tpu.memory_space<hbm>>) target(%arg7 : memref<16xi32, #tpu.memory_space<vmem>>) target_semaphore(%run_scoped3A : memref<!tpu.dma_semaphore, #tpu.memory_space<semaphore_mem>>)
      %dma_wait3A = tpu.memref_slice %arg3[%add3A_24] : memref<1024xi32, #tpu.memory_space<hbm>> -> memref<16xi32, #tpu.memory_space<hbm>>
      %dma_wait3A_53 = tpu.memref_slice %arg3[%add3A_24] : memref<1024xi32, #tpu.memory_space<hbm>> -> memref<16xi32, #tpu.memory_space<hbm>>
      tpu.wait_dma2 semaphore(%run_scoped3A : memref<!tpu.dma_semaphore, #tpu.memory_space<semaphore_mem>>) src(%dma_wait3A_53 : memref<16xi32, #tpu.memory_space<hbm>>) dst(%arg7 : memref<16xi32, #tpu.memory_space<vmem>>)
      tpu.yield
    }) : () -> ()
    %get3A = arith.constant 0 : index
    %get3A_25 = tpu.vector_load %arg6[%get3A] {strides = array<i32>} : memref<16xi32, #tpu.memory_space<vmem>>, vector<16xi32>,
    %get3A_26 = arith.constant 0 : index
    %get3A_27 = tpu.vector_load %arg7[%get3A_26] {strides = array<i32>} : memref<16xi32, #tpu.memory_space<vmem>>, vector<16xi32>,
    %mul3A_28 = arith.constant 1000 : i32
    %mul3A_29 = vector.broadcast %mul3A_28 : i32 to vector<16xi32>
    %mul3A_30 = arith.muli %mul3A_29, %get3A_27 : vector<16xi32>
    %add3A_31 = arith.addi %get3A_25, %mul3A_30 : vector<16xi32>
    %scan3A_32 = arith.constant 0 : i32
    %scan3A_33 = arith.constant 16 : i32
    %scan3A_34 = arith.addi %scan3A_32, %scan3A_33 : i32
    %scan3A_35 = arith.constant 1 : i32
    scf.for %scan3A_52 = %scan3A_32 to %scan3A_34 step %scan3A_35  : i32 {
      %eq3A = vector.broadcast %scan3A_52 : i32 to vector<16xi32>
      %eq3A_53 = arith.cmpi eq, %iota3A, %eq3A : vector<16xi32>
      tpu.vector_store_idx %arg5[%add3A_31], %broadcast_in_dim3A_3 masked %eq3A_53 : memref<100000xf32, #tpu.memory_space<vmem>>[vector<16xi32>], vector<16xf32>, vector<16xi1>
      %add3A_54 = arith.addi %add3A_24, %scan3A_52 : i32
      "tpu.region"() ({
        %run_scoped3A = tpu.sem_alloc : memref<!tpu.dma_semaphore, #tpu.memory_space<semaphore_mem>>
        %dma_start3A = arith.constant 0 : i32
        %dma_start3A_55 = tpu.memref_slice %arg4[%add3A_54, %dma_start3A] : memref<1024x100000xf32, #tpu.memory_space<hbm>> -> memref<1x100000xf32, #tpu.memory_space<hbm>>
        %dma_start3A_56 = tpu.memref_squeeze %dma_start3A_55 : memref<1x100000xf32, #tpu.memory_space<hbm>> -> memref<100000xf32, #tpu.memory_space<hbm>>
        %dma_start3A_57 = arith.constant 0 : i32
        %dma_start3A_58 = tpu.memref_slice %arg4[%add3A_54, %dma_start3A_57] : memref<1024x100000xf32, #tpu.memory_space<hbm>> -> memref<1x100000xf32, #tpu.memory_space<hbm>>
        %dma_start3A_59 = tpu.memref_squeeze %dma_start3A_58 : memref<1x100000xf32, #tpu.memory_space<hbm>> -> memref<100000xf32, #tpu.memory_space<hbm>>
        tpu.enqueue_dma source(%arg5 : memref<100000xf32, #tpu.memory_space<vmem>>) target(%dma_start3A_59 : memref<100000xf32, #tpu.memory_space<hbm>>) target_semaphore(%run_scoped3A : memref<!tpu.dma_semaphore, #tpu.memory_space<semaphore_mem>>)
        %dma_wait3A = arith.constant 0 : i32
        %dma_wait3A_60 = tpu.memref_slice %arg4[%add3A_54, %dma_wait3A] : memref<1024x100000xf32, #tpu.memory_space<hbm>> -> memref<1x100000xf32, #tpu.memory_space<hbm>>
        %dma_wait3A_61 = tpu.memref_squeeze %dma_wait3A_60 : memref<1x100000xf32, #tpu.memory_space<hbm>> -> memref<100000xf32, #tpu.memory_space<hbm>>
        %dma_wait3A_62 = arith.constant 0 : i32
        %dma_wait3A_63 = tpu.memref_slice %arg4[%add3A_54, %dma_wait3A_62] : memref<1024x100000xf32, #tpu.memory_space<hbm>> -> memref<1x100000xf32, #tpu.memory_space<hbm>>
        %dma_wait3A_64 = tpu.memref_squeeze %dma_wait3A_63 : memref<1x100000xf32, #tpu.memory_space<hbm>> -> memref<100000xf32, #tpu.memory_space<hbm>>
        tpu.wait_dma2 semaphore(%run_scoped3A : memref<!tpu.dma_semaphore, #tpu.memory_space<semaphore_mem>>) src(%arg5 : memref<100000xf32, #tpu.memory_space<vmem>>) dst(%dma_wait3A_64 : memref<100000xf32, #tpu.memory_space<hbm>>)
        tpu.yield
      }) : () -> ()
      tpu.vector_store_idx %arg5[%add3A_31], %broadcast_in_dim3A_5 masked %eq3A_53 : memref<100000xf32, #tpu.memory_space<vmem>>[vector<16xi32>], vector<16xf32>, vector<16xi1>
    }
    %scan3A_36 = arith.constant 16 : i32
    %add3A_37 = arith.constant 16 : i32
    %add3A_38 = arith.addi %mul3A_2, %add3A_37 : i32
    "tpu.region"() ({
      %run_scoped3A = tpu.sem_alloc : memref<!tpu.dma_semaphore, #tpu.memory_space<semaphore_mem>>
      %dma_start3A = tpu.memref_slice %arg2[%add3A_38] : memref<1024xi32, #tpu.memory_space<hbm>> -> memref<16xi32, #tpu.memory_space<hbm>>
      %dma_start3A_52 = tpu.memref_slice %arg2[%add3A_38] : memref<1024xi32, #tpu.memory_space<hbm>> -> memref<16xi32, #tpu.memory_space<hbm>>
      tpu.enqueue_dma source(%dma_start3A_52 : memref<16xi32, #tpu.memory_space<hbm>>) target(%arg6 : memref<16xi32, #tpu.memory_space<vmem>>) target_semaphore(%run_scoped3A : memref<!tpu.dma_semaphore, #tpu.memory_space<semaphore_mem>>)
      %dma_wait3A = tpu.memref_slice %arg2[%add3A_38] : memref<1024xi32, #tpu.memory_space<hbm>> -> memref<16xi32, #tpu.memory_space<hbm>>
      %dma_wait3A_53 = tpu.memref_slice %arg2[%add3A_38] : memref<1024xi32, #tpu.memory_space<hbm>> -> memref<16xi32, #tpu.memory_space<hbm>>
      tpu.wait_dma2 semaphore(%run_scoped3A : memref<!tpu.dma_semaphore, #tpu.memory_space<semaphore_mem>>) src(%dma_wait3A_53 : memref<16xi32, #tpu.memory_space<hbm>>) dst(%arg6 : memref<16xi32, #tpu.memory_space<vmem>>)
      tpu.yield
    }) : () -> ()
    "tpu.region"() ({
      %run_scoped3A = tpu.sem_alloc : memref<!tpu.dma_semaphore, #tpu.memory_space<semaphore_mem>>
      %dma_start3A = tpu.memref_slice %arg3[%add3A_38] : memref<1024xi32, #tpu.memory_space<hbm>> -> memref<16xi32, #tpu.memory_space<hbm>>
      %dma_start3A_52 = tpu.memref_slice %arg3[%add3A_38] : memref<1024xi32, #tpu.memory_space<hbm>> -> memref<16xi32, #tpu.memory_space<hbm>>
      tpu.enqueue_dma source(%dma_start3A_52 : memref<16xi32, #tpu.memory_space<hbm>>) target(%arg7 : memref<16xi32, #tpu.memory_space<vmem>>) target_semaphore(%run_scoped3A : memref<!tpu.dma_semaphore, #tpu.memory_space<semaphore_mem>>)
      %dma_wait3A = tpu.memref_slice %arg3[%add3A_38] : memref<1024xi32, #tpu.memory_space<hbm>> -> memref<16xi32, #tpu.memory_space<hbm>>
      %dma_wait3A_53 = tpu.memref_slice %arg3[%add3A_38] : memref<1024xi32, #tpu.memory_space<hbm>> -> memref<16xi32, #tpu.memory_space<hbm>>
      tpu.wait_dma2 semaphore(%run_scoped3A : memref<!tpu.dma_semaphore, #tpu.memory_space<semaphore_mem>>) src(%dma_wait3A_53 : memref<16xi32, #tpu.memory_space<hbm>>) dst(%arg7 : memref<16xi32, #tpu.memory_space<vmem>>)
      tpu.yield
    }) : () -> ()
    %get3A_39 = arith.constant 0 : index
    %get3A_40 = tpu.vector_load %arg6[%get3A_39] {strides = array<i32>} : memref<16xi32, #tpu.memory_space<vmem>>, vector<16xi32>,
    %get3A_41 = arith.constant 0 : index
    %get3A_42 = tpu.vector_load %arg7[%get3A_41] {strides = array<i32>} : memref<16xi32, #tpu.memory_space<vmem>>, vector<16xi32>,
    %mul3A_43 = arith.constant 1000 : i32
    %mul3A_44 = vector.broadcast %mul3A_43 : i32 to vector<16xi32>
    %mul3A_45 = arith.muli %mul3A_44, %get3A_42 : vector<16xi32>
    %add3A_46 = arith.addi %get3A_40, %mul3A_45 : vector<16xi32>
    %scan3A_47 = arith.constant 0 : i32
    %scan3A_48 = arith.constant 16 : i32
    %scan3A_49 = arith.addi %scan3A_47, %scan3A_48 : i32
    %scan3A_50 = arith.constant 1 : i32
    scf.for %scan3A_52 = %scan3A_47 to %scan3A_49 step %scan3A_50  : i32 {
      %eq3A = vector.broadcast %scan3A_52 : i32 to vector<16xi32>
      %eq3A_53 = arith.cmpi eq, %iota3A, %eq3A : vector<16xi32>
      tpu.vector_store_idx %arg5[%add3A_46], %broadcast_in_dim3A_3 masked %eq3A_53 : memref<100000xf32, #tpu.memory_space<vmem>>[vector<16xi32>], vector<16xf32>, vector<16xi1>
      %add3A_54 = arith.addi %add3A_38, %scan3A_52 : i32
      "tpu.region"() ({
        %run_scoped3A = tpu.sem_alloc : memref<!tpu.dma_semaphore, #tpu.memory_space<semaphore_mem>>
        %dma_start3A = arith.constant 0 : i32
        %dma_start3A_55 = tpu.memref_slice %arg4[%add3A_54, %dma_start3A] : memref<1024x100000xf32, #tpu.memory_space<hbm>> -> memref<1x100000xf32, #tpu.memory_space<hbm>>
        %dma_start3A_56 = tpu.memref_squeeze %dma_start3A_55 : memref<1x100000xf32, #tpu.memory_space<hbm>> -> memref<100000xf32, #tpu.memory_space<hbm>>
        %dma_start3A_57 = arith.constant 0 : i32
        %dma_start3A_58 = tpu.memref_slice %arg4[%add3A_54, %dma_start3A_57] : memref<1024x100000xf32, #tpu.memory_space<hbm>> -> memref<1x100000xf32, #tpu.memory_space<hbm>>
        %dma_start3A_59 = tpu.memref_squeeze %dma_start3A_58 : memref<1x100000xf32, #tpu.memory_space<hbm>> -> memref<100000xf32, #tpu.memory_space<hbm>>
        tpu.enqueue_dma source(%arg5 : memref<100000xf32, #tpu.memory_space<vmem>>) target(%dma_start3A_59 : memref<100000xf32, #tpu.memory_space<hbm>>) target_semaphore(%run_scoped3A : memref<!tpu.dma_semaphore, #tpu.memory_space<semaphore_mem>>)
        %dma_wait3A = arith.constant 0 : i32
        %dma_wait3A_60 = tpu.memref_slice %arg4[%add3A_54, %dma_wait3A] : memref<1024x100000xf32, #tpu.memory_space<hbm>> -> memref<1x100000xf32, #tpu.memory_space<hbm>>
        %dma_wait3A_61 = tpu.memref_squeeze %dma_wait3A_60 : memref<1x100000xf32, #tpu.memory_space<hbm>> -> memref<100000xf32, #tpu.memory_space<hbm>>
        %dma_wait3A_62 = arith.constant 0 : i32
        %dma_wait3A_63 = tpu.memref_slice %arg4[%add3A_54, %dma_wait3A_62] : memref<1024x100000xf32, #tpu.memory_space<hbm>> -> memref<1x100000xf32, #tpu.memory_space<hbm>>
        %dma_wait3A_64 = tpu.memref_squeeze %dma_wait3A_63 : memref<1x100000xf32, #tpu.memory_space<hbm>> -> memref<100000xf32, #tpu.memory_space<hbm>>
        tpu.wait_dma2 semaphore(%run_scoped3A : memref<!tpu.dma_semaphore, #tpu.memory_space<semaphore_mem>>) src(%arg5 : memref<100000xf32, #tpu.memory_space<vmem>>) dst(%dma_wait3A_64 : memref<100000xf32, #tpu.memory_space<hbm>>)
        tpu.yield
      }) : () -> ()
      tpu.vector_store_idx %arg5[%add3A_46], %broadcast_in_dim3A_5 masked %eq3A_53 : memref<100000xf32, #tpu.memory_space<vmem>>[vector<16xi32>], vector<16xf32>, vector<16xi1>
    }
    %scan3A_51 = arith.constant 16 : i32
    return
  }
}

</mosaic_0001>

<sc_bundles>
// kernel: kernel.3.cloned.1.call-start
scs
__scs_entry_jumppad:
0x0: {  	(pc) =	sbr.rel $0x88, $3  }
0x1: {  	(tag) =	ssettag $0x0;
	lr =	simm.s32 $0x1  }
0x2: {  	[smem:$0x3FA0] =	sst lr;
	_ =	strace $0xD0000000  }
0x3: {  	_ = 	snop  }
0x4: {  	_ = 	snop  }
0x5: {  	_ = 	snop  }
0x6: {  	_ = 	snop  }
0x7: {  	_ = 	snop  }
__scs_overlays_trampoline_lowered:
0x8: {  	[smem:$0x3FAF] =	sst s0  }
0x9: {  	[smem:$0x3FB0] =	sst s1  }
0xa: {  	[smem:$0x3FB1] =	sst s2  }
0xb: {  	[smem:$0x3FB2] =	sst s3  }
0xc: {  	[smem:$0x3FB3] =	sst s4  }
0xd: {  	[smem:$0x3FB4] =	sst s5  }
0xe: {  	[smem:$0x3FB5] =	sst s6  }
0xf: {  	[smem:$0x3FB6] =	sst s7  }
0x10: {  	[smem:$0x3FB7] =	sst s8  }
0x11: {  	[smem:$0x3FB8] =	sst s9;
	s0 =	simm.s32 @!p0 $0x0  }
0x12: {  	s1 =	sld [smem:$0x3F9E];
	s0 =	simm.s32 @p0 $0x1  }
0x13: {  	[smem:$0x3FB9] =	sst s0;
	s0 =	simm.s32 @!p1 $0x0  }
0x14: {  	s2 =	sld [smem:$0x3F9D];
	s0 =	simm.s32 @p1 $0x1  }
0x15: {  	[smem:$0x3FBA] =	sst s0;
	s0 =	simm.s32 @!p2 $0x0  }
0x16: {  	s3 =	sld [smem:$0x3FDB];
	s0 =	simm.s32 @p2 $0x1  }
0x17: {  	s4 =	simm.s32 $0x1BF5;
	[smem:$0x3FBC] =	sst s0  }
0x18: {  	s0 =	sld [smem:$0x3F9F];
	_ =	swait.ge [sflag:s4], $0x0  }
0x19: {  	s7 =	sld [smem:$0x3FA0]  }
0x1a: {  	s8 =	sadd.s32 $0xFFFFE003, lr  }
0x1b: {  	s9 =	sadd.s32 $0xFFFFFEF7, lr;
	s5 =	simm.s32 $0xFFFFFFFF;
	p2 =	slt.u32 s8, $0xFFFFF086  }
0x1c: {  	p1 =	slt.u32 s9, $0xF7A;
	s5 =	simm.s32 @!p2 $0x0  }
0x1d: {  	s5 =	simm.s32 @p1 $0x1;
	p0 =	seq.s32 s7, s2  }
0x1e: {  	s7 =	smul.u32 @!p0 $0xF7A, s2;
	p2 =	seq.s32 @!p0 s5, $0x0  }
0x1f: {  	s9 =	smul.u32 $0xF7A, s1;
	s8 =	simm.s32 @!p0 $0x1BF5;
	p2 =	por !p2, p0  }
0x20: {  	[sflag:s8] =	ssyncset.s32 @!p0 $0xFFFFF086;
	s6 =	sadd.s32 @!p0 s3, s7;
	s7 =	simm.s32 @!p0 $0x108  }
0x21: {  	s3 =	sadd.s32 s3, s9;
	s6 =	sadd.s32 @!p0 $0x88, s6;
	s7 =	simm.s32 @p2 $0x1082  }
0x22: {  	[simem:s7], [sflag:s8] =	dma.local @!p0 [hbm:s6], $0xF7A  }
0x23: {  	s9 =	sor.u32 $0xD0000000, s2;
	s6 =	simm.s32 $0x108;
	_ =	swait.ge @!p0 [sflag:s8], $0x0  }
0x24: {  	s3 =	sadd.s32 $0x88, s3;
	s6 =	simm.s32 @!p1 $0x1082;
	[sflag:s4] =	ssyncset.s32 $0xFFFFF086  }
0x25: {  	[simem:s6], [sflag:s4] =	dma.local [hbm:s3], $0xF7A  }
0x26: {  	[smem:$0x3FA0] =	sst s1;
	(tag) =	ssettag s2;
	_ =	strace s9  }
0x27: {  	s1 =	sld [smem:$0x3FB0]  }
0x28: {  	s2 =	sld [smem:$0x3FB1]  }
0x29: {  	s4 =	sld [smem:$0x3FB3]  }
0x2a: {  	p0 =	seq.s32 s5, $0x0;
	s5 =	sld [smem:$0x3FB4]  }
0x2b: {  	s6 =	sld [smem:$0x3FB5]  }
0x2c: {  	s7 =	sld [smem:$0x3FB6]  }
0x2d: {  	s3 =	simm.s32 $0x108;
	s8 =	sld [smem:$0x3FB7]  }
0x2e: {  	s3 =	simm.s32 @!p0 $0x1082;
	s9 =	sld [smem:$0x3FB8]  }
0x2f: {  	lr =	sadd.s32 s0, s3;
	s0 =	sld [smem:$0x3FAF]  }
0x30: {  	s3 =	sld [smem:$0x3FB2]  }
0x31: {  	[smem:$0x3FBB] =	sst s10  }
0x32: {  	s10 =	sld [smem:$0x3FB9];
	_ =	sdelay $0x3  }
0x33: {  	p0 =	seq.s32 s10, $0x1;
	s10 =	sld [smem:$0x3FBB];
	_ =	sdelay $0x3  }
0x34: {  	[smem:$0x3FBB] =	sst s10  }
0x35: {  	s10 =	sld [smem:$0x3FBA];
	_ =	sdelay $0x3  }
0x36: {  	p1 =	seq.s32 s10, $0x1;
	s10 =	sld [smem:$0x3FBB];
	_ =	sdelay $0x3  }
0x37: {  	[smem:$0x3FBB] =	sst s10  }
0x38: {  	s10 =	sld [smem:$0x3FBC]  }
0x39: {  	_ = 	snop;
	(pc) =	sbr.ind lr, $3  }
0x3a: {  	_ = 	snop  }
0x3b: {  	_ = 	snop  }
0x3c: {  	p2 =	seq.s32 s10, $0x1;
	s10 =	sld [smem:$0x3FBB]  }
0x3d: {  	_ =	shalt  }
0x3e: {  	_ =	shalt  }
0x3f: {  	_ =	shalt  }
0x40: {  	_ =	shalt  }
0x41: {  	_ =	shalt  }
0x42: {  	_ =	shalt  }
0x43: {  	_ =	shalt  }
0x44: {  	_ =	shalt  }
0x45: {  	_ =	shalt  }
0x46: {  	_ =	shalt  }
0x47: {  	_ =	shalt  }
0x48: {  	_ =	shalt  }
0x49: {  	_ =	shalt  }
0x4a: {  	_ =	shalt  }
0x4b: {  	_ =	shalt  }
0x4c: {  	_ =	shalt  }
0x4d: {  	_ =	shalt  }
0x4e: {  	_ =	shalt  }
0x4f: {  	_ =	shalt  }
0x50: {  	_ =	shalt  }
0x51: {  	_ =	shalt  }
0x52: {  	_ =	shalt  }
0x53: {  	_ =	shalt  }
0x54: {  	_ =	shalt  }
0x55: {  	_ =	shalt  }
0x56: {  	_ =	shalt  }
0x57: {  	_ =	shalt  }
0x58: {  	_ =	shalt  }
0x59: {  	_ =	shalt  }
0x5a: {  	_ =	shalt  }
0x5b: {  	_ =	shalt  }
0x5c: {  	_ =	shalt  }
0x5d: {  	_ =	shalt  }
0x5e: {  	_ =	shalt  }
0x5f: {  	_ =	shalt  }
0x60: {  	_ =	shalt  }
0x61: {  	_ =	shalt  }
0x62: {  	_ =	shalt  }
0x63: {  	_ =	shalt  }
0x64: {  	_ =	shalt  }
0x65: {  	_ =	shalt  }
0x66: {  	_ =	shalt  }
0x67: {  	_ =	shalt  }
0x68: {  	_ =	shalt  }
0x69: {  	_ =	shalt  }
0x6a: {  	_ =	shalt  }
0x6b: {  	_ =	shalt  }
0x6c: {  	_ =	shalt  }
0x6d: {  	_ =	shalt  }
0x6e: {  	_ =	shalt  }
0x6f: {  	_ =	shalt  }
0x70: {  	_ =	shalt  }
0x71: {  	_ =	shalt  }
0x72: {  	_ =	shalt  }
0x73: {  	_ =	shalt  }
0x74: {  	_ =	shalt  }
0x75: {  	_ =	shalt  }
0x76: {  	_ =	shalt  }
0x77: {  	_ =	shalt  }
0x78: {  	_ =	shalt  }
0x79: {  	_ =	shalt  }
0x7a: {  	_ =	shalt  }
0x7b: {  	_ =	shalt  }
0x7c: {  	_ =	shalt  }
0x7d: {  	_ =	shalt  }
0x7e: {  	_ =	shalt  }
0x7f: {  	_ =	shalt  }
0x80: {  	_ =	shalt  }
0x81: {  	_ =	shalt  }
0x82: {  	_ =	shalt  }
0x83: {  	_ =	shalt  }
0x84: {  	_ =	shalt  }
0x85: {  	_ =	shalt  }
0x86: {  	_ =	shalt  }
0x87: {  	_ =	shalt  }
.Lfunc_end0:
.L_simem_size_0:
called_computation_lowered:
.L_overlay_start_0:
0x88: {  	s2 =	sld [smem:$0x3FD9]  }
0x89: {  	s3 =	sld [smem:$0x3FFE];
	_ =	sdelay $0x1  }
0x8a: {  	s1 =	srdreg.scid  }
0x8b: {  	s0 =	sand.u32 $0x1, s1  }
0x8c: {  	s17 =	sshll.u32 s0, $0xA;
	s2 =	sadd.s32 s3, s2  }
0x8d: {  	s2 =	sadd.s32 s2, s17  }
0x8e: {  	[smem:$0x3FC7] =	sst s2  }
0x8f: {  	_ = 	snop  }
0x90: {  	s2 =	sld [smem:$0x3FD0];
	(tm) =	ssettm $0x1  }
0x91: {  	s18 =	sld [smem:$0x3FFB];
	_ =	sdelay $0x3  }
0x92: {  	_ =	strace s18  }
0x93: {  	s3 =	sld [smem:$0x3FFC];
	_ =	sdelay $0x3  }
0x94: {  	_ =	strace s3  }
0x95: {  	s3 =	sld [smem:$0x3FFD];
	_ =	sdelay $0x3  }
0x96: {  	_ =	strace s3  }
0x97: {  	_ =	strace $0x8FFFFFFF  }
0x98: {  	s19 =	sld [smem:$0x3FDB];
	_ =	sdelay $0x1  }
0x99: {  	s4 =	simm.s32 $_scs_section_size  }
0x9a: {  	s5 =	simm.s32 $_size__tile_overlayer_lowered;
	s6 =	simm.s32 $_tile_overlayer_lowered  }
0x9b: {  	s22 =	simm.s32 $0x1BFF;
	s21 =	sshll.u32 s6, $0x1;
	s3 =	sadd.s32 s4, s19  }
0x9c: {  	s7 =	simm.s32 $0x0;
	s20 =	sshll.u32 s5, $0x1;
	s5 =	sadd.s32 s21, s3  }
0x9d: {  	[timem:s7], [sflag:s22] =	dma.local [hbm:s5], s20  }
0x9e: {  	_ =	swait.ge [sflag:s22], s20  }
0x9f: {  	s4 =	ssub.s32 $0x0, s20;
	[sflag:s22] =	ssyncset.done $0x0  }
0xa0: {  	[sflag:s22] =	ssyncadd.s32 s4;
	_ =	sdelay $0x1  }
0xa1: {  	s23 =	simm.s32 $0x1B8B  }
0xa2: {  	_ =	swait.ge [sflag:s23], $0x1  }
0xa3: {  	[sflag:s23] =	ssyncset.done $0x0  }
0xa4: {  	s25 =	simm.s32 $0x1B8E;
	s24 =	sld [smem:$0x3FFE];
	[sflag:s23] =	ssyncadd.s32 $0xFFFFFFFF  }
0xa5: {  	s26 =	simm.s32 $execute0_lowered;
	[smem:$0x3FD2] =	sst s25  }
0xa6: {  	s5 =	sshll.u32 s26, $0x1;
	_ =	strace $0x80000046;
	[dreg:$0x1] =	wrdreg $0xFFFFFFFF  }
0xa7: {  	s28 =	simm.s32 $_size_execute0_lowered;
	s3 =	sadd.s32 s3, s5;
	[dreg:$0x0] =	wrdreg $0x0  }
0xa8: {  	s5 =	sshll.u32 s28, $0x1;
	[dreg:$0x2] =	wrdreg s3  }
0xa9: {  	[dreg:$0x3] =	wrdreg s5  }
0xaa: {  	[dreg:$0x4] =	wrdreg $0xC0  }
0xab: {  	_ =	task [dreg:s7], $0x5FFFF  }
0xac: {  	[dreg:$0x1] =	wrdreg $0xFFFFFFFF  }
0xad: {  	[dreg:$0x0] =	wrdreg $0x60  }
0xae: {  	[dreg:$0x2] =	wrdreg s24  }
0xaf: {  	[dreg:$0x3] =	wrdreg s2  }
0xb0: {  	[dreg:$0x4] =	wrdreg $0x9  }
0xb1: {  	_ =	task.clear_ibuf [dreg:s7], $0x5FFFF;
	_ =	strace $0x90000046  }
0xb2: {  	s29 =	simm.s32 $0x9;
	_ =	strace $0x80000048  }
0xb3: {  	_ =	swait.ge [sflag:s29], $0x1  }
0xb4: {  	[sflag:s29] =	ssyncadd.s32 $0xFFFFFFFF  }
0xb5: {  	_ =	strace $0x90000048  }
0xb6: {  	_ =	sfence  }
0xb7: {  	s30 =	sld [smem:$0x0];
	_ =	sdelay $0x2  }
0xb8: {  	s31 =	sshll.u32 s1, $0xD;
	s1 =	sshrl.u32 s1, $0x2  }
0xb9: {  	s3 =	sand.u32 $0x4000, s31;
	s1 =	sadd.s32 s1, s30  }
0xba: {  	s0 =	sor.u32 s3, s0;
	s1 =	sshll.u32 s1, $0x11  }
0xbb: {  	s0 =	sor.u32 s1, s0  }
0xbc: {  	s0 =	sadd.s32 $0x8F2B, s0  }
0xbd: {  	[sflag:s0] =	ssyncadd.remote.s32 $0x1  }
0xbe: {  	_ =	sfence.sel $0xFFFF  }
0xbf: {  	[dreg:$0x0] =	wrdreg $0xFFFFFFFF;
	(pc) =	sbr.abs _section_cstart, $3  }
0xc0: {  	[dreg:$0x1] =	wrdreg $0xFFFFFFFF  }
0xc1: {  	_ =	task.clear_ibuf [dreg:s7], $0x2FFFF;
	_ =	strace $0x9FFFFFFF  }
0xc2: {  	(tm) =	ssettm $0x7FFFFFFF  }
0xc3: {  	_ =	shalt  }
tec
execute0_lowered:
.L_overlay_start_1:
0x0: {  	(tag) =	ssettag $0x1  }
0x1: {  	s3 =	rddreg [dreg:$0x0]  }
0x2: {  	s9 =	rddreg [dreg:$0x1]  }
0x3: {  	s0 =	rddreg [dreg:$0x2];
	s1 =	simm.s32 $0x0  }
0x4: {  	s4 =	srdreg.scid;
	s2 =	stileid.u32;
	s12 =	simm.s32 $0x1  }
0x5: {  	s13 =	simm.s32 $0x18780;
	s14 =	simm.s32 $0x80;
	s15 =	simm.s32 $0x400  }
0x6: {  	s16 =	simm.s32 $0x0;
	[smem:$0x7FF] =	sst s1;
	s4 =	sand.u32 $0x1, s4  }
0x7: {  	s6 =	sshll.u32 s2, $0x6;
	s5 =	ssub.s32 $0x2, s4;
	s4 =	sshll.u32 s4, $0x5  }
0x8: {  	s8 =	sadd.s32 $0x600, s3;
	s3 =	sadd.s32 $0x800, s3;
	s4 =	sor.u32 s4, s6  }
0x9: {  	_ =	strace $0x80000047;
	s7 =	sshrl.u32 s5, $0x1;
	s31 =	sshrl.u32 s4, $0x3  }
0xa: {  	s10 =	ssub.s32 s5, s7;
	s5 =	sor.u32 $0x10, s4;
	s6 =	sadd.s32 s8, s31  }
0xb: {  	s7 =	sadd.s32 s9, s31;
	s11 =	sshrl.u32 s5, $0x3;
	s10 =	smax.u32 s10, $0x1  }
0xc: {  	v0 =	vimm.f32 $0.0e+00;
	v1 =	vlaneseq.u32;
	v2 =	vimm.f32 $1.000000000e+00;
	s8 =	sadd.s32 s8, s11;
	s9 =	sadd.s32 s9, s11;
	s11 =	simm.s32 $0x18700  }
.LBB2_1:
0xd: {  	s17 =	simm.s32 $0x40  }
0xe: {  	[tilespmem:s17+$0xFFFFFFC0] =	vst v0  }
0xf: {  	[tilespmem:s17+$0x30] =	vst v0  }
0x10: {  	[tilespmem:s17+$0x20] =	vst v0  }
0x11: {  	[tilespmem:s17+$0x10] =	vst v0  }
0x12: {  	[tilespmem:s17+$0x0] =	vst v0  }
0x13: {  	[tilespmem:s17+$0xFFFFFFF0] =	vst v0  }
0x14: {  	s18 =	simm.s32 $0x0;
	[tilespmem:s17+$0xFFFFFFE0] =	vst v0  }
.LBB2_2:
0x15: {  	s18 =	sadd.s32 $0x8, s18;
	[tilespmem:s17+$0xFFFFFFD0] =	vst v0;
	s17 =	sadd.s32 $0x80, s17  }
0x16: {  	[tilespmem:s17+$0xFFFFFFC0] =	vst v0;
	p0 =	slt.u32 s18, $0x1860  }
0x17: {  	[tilespmem:s17+$0x30] =	vst v0  }
.Ltmp0:
0x18: {  	[tilespmem:s17+$0x20] =	vst v0;
	(pc) =	sbr.rel @p0 .LBB2_2-.Ltmp0, $4  }
0x19: {  	[tilespmem:s17+$0x10] =	vst v0  }
0x1a: {  	[tilespmem:s17+$0x0] =	vst v0  }
0x1b: {  	[tilespmem:s17+$0xFFFFFFF0] =	vst v0  }
0x1c: {  	[tilespmem:s17+$0xFFFFFFE0] =	vst v0  }
0x1d: {  	[tilespmem:s17+$0xFFFFFFD0] =	vst v0  }
0x1e: {  	[tilespmem:$0x18680] =	vst v0  }
0x1f: {  	s30 =	simm.s32 $0x0;
	[tilespmem:$0x18690] =	vst v0  }
0x20: {  	[tilespmem:s11], [sflag:$0x1] =	stream.linear.gather [hbm4b:s6+s30], $0x10, $0x38;
	[tilespmem:$0x18800] =	vst v63  }
0x21: {  	_ =	swait.ge [sflag:s12], $0x10  }
0x22: {  	[sflag:s12] =	ssyncset.done $0x0  }
0x23: {  	[sflag:s12] =	ssyncadd.s32 $0xFFFFFFF0  }
0x24: {  	[tilespmem:s13], [sflag:$0x1] =	stream.linear.gather [hbm4b:s7+s30], $0x10, $0x38;
	[tilespmem:$0x18800] =	vst v63  }
0x25: {  	_ =	swait.ge [sflag:s12], $0x10  }
0x26: {  	[sflag:s12] =	ssyncset.done $0x0  }
0x27: {  	[sflag:s12] =	ssyncadd.s32 $0xFFFFFFF0  }
0x28: {  	v3 =	vld [tilespmem:$0x18780];
	_ =	sdelay $0x1  }
0x29: {  	v4 =	vld [tilespmem:$0x18700];
	_ =	sdelay $0x2  }
0x2a: {  	v5 =	vmov s30;
	v3 =	vmul.u32 $0x3E8, v3  }
0x2b: {  	s18 =	sadd.s32 $0x0, s4;
	vm0 =	veq.s32 v5, v1  }
0x2c: {  	s18 =	sshrl.u32 s18, $0x3;
	v3 =	vadd.s32 v4, v3  }
0x2d: {  	s18 =	smul.u32 $0xC3800, s18  }
0x2e: {  	s17 =	sand.u32 $0x380, s30  }
0x2f: {  	s17 =	sor.u32 s17, s18  }
0x30: {  	s17 =	sshrl.u32 s17, $0x3  }
0x31: {  	s19 =	sadd.s32 $0x1, s4;
	s17 =	sadd.s32 s3, s17;
	[tilespmem:v3+s1+$0x0] =	vst.idx.msk vm0, v2;
	vm0 =	vmmov vm0  }
0x32: {  	[hbm4b:s17+s14] =	stream.strided.scatter [tilespmem:s1], [sflag:$0x1], $0x18700, s15, s14, $0x38;
	[tilespmem:$0x18800] =	vst v63  }
0x33: {  	s31 =	simm.s32 $0x1;
	s19 =	sshrl.u32 s19, $0x3;
	_ =	swait.ge [sflag:s12], $0x18700  }
0x34: {  	s19 =	smul.u32 $0xC3800, s19;
	s18 =	simm.s32 $0x80;
	v4 =	vmov s31;
	[sflag:s12] =	ssyncset.done $0x0  }
0x35: {  	s20 =	sand.u32 $0x380, s18;
	vm1 =	veq.s32 v4, v1;
	s17 =	simm.s32 $0x2;
	[sflag:s12] =	ssyncadd.s32 $0xFFFE7900  }
.LBB2_4:
0x36: {  	p0 =	sne.s32 s17, $0xF  }
0x37: {  	s19 =	sor.u32 s20, s19;
	[tilespmem:v3+s1+$0x0] =	vst.idx.msk vm0, v0;
	vm0 =	vmmov vm1;
	s20 =	smov.u32 s17;
	s17 =	sadd.s32 $0x1, s17  }
0x38: {  	s19 =	sshrl.u32 s19, $0x3  }
.Ltmp1:
0x39: {  	v4 =	vmov s20;
	s20 =	sadd.s32 s20, s4;
	[tilespmem:v3+s1+$0x0] =	vst.idx.msk vm1, v2;
	s19 =	sadd.s32 s3, s19;
	(pc) =	sbr.rel @p0 .LBB2_4-.Ltmp1, $4  }
0x3a: {  	vm1 =	veq.s32 v4, v1;
	[hbm4b:s19+s14] =	stream.strided.scatter [tilespmem:s1], [sflag:$0x1], $0x18700, s15, s14, $0x38;
	[tilespmem:$0x18800] =	vst v63  }
0x3b: {  	s19 =	sshrl.u32 s20, $0x3;
	_ =	swait.ge [sflag:s12], $0x18700  }
0x3c: {  	s18 =	sadd.s32 $0x80, s18;
	s19 =	smul.u32 $0xC3800, s19;
	[sflag:s12] =	ssyncset.done $0x0  }
0x3d: {  	s20 =	sand.u32 $0x380, s18;
	[sflag:s12] =	ssyncadd.s32 $0xFFFE7900  }
0x3e: {  	_ =	sdelay $0x3  }
0x3f: {  	s17 =	sor.u32 s20, s19  }
0x40: {  	[tilespmem:v3+s1+$0x0] =	vst.idx.msk vm0, v0;
	s17 =	sshrl.u32 s17, $0x3  }
0x41: {  	[tilespmem:v3+s1+$0x0] =	vst.idx.msk vm1, v2;
	s17 =	sadd.s32 s3, s17  }
0x42: {  	[hbm4b:s17+s14] =	stream.strided.scatter [tilespmem:s1], [sflag:$0x1], $0x18700, s15, s14, $0x38;
	[tilespmem:$0x18800] =	vst v63  }
0x43: {  	_ =	swait.ge [sflag:s12], $0x18700  }
0x44: {  	[sflag:s12] =	ssyncset.done $0x0  }
0x45: {  	[sflag:s12] =	ssyncadd.s32 $0xFFFE7900  }
0x46: {  	s29 =	simm.s32 $0x0;
	[tilespmem:v3+s1+$0x0] =	vst.idx.msk vm1, v0  }
0x47: {  	[tilespmem:s11], [sflag:$0x1] =	stream.linear.gather [hbm4b:s8+s29], $0x10, $0x38;
	[tilespmem:$0x18800] =	vst v63  }
0x48: {  	_ =	swait.ge [sflag:s12], $0x10  }
0x49: {  	[sflag:s12] =	ssyncset.done $0x0  }
0x4a: {  	[sflag:s12] =	ssyncadd.s32 $0xFFFFFFF0  }
0x4b: {  	[tilespmem:s13], [sflag:$0x1] =	stream.linear.gather [hbm4b:s9+s29], $0x10, $0x38;
	[tilespmem:$0x18800] =	vst v63  }
0x4c: {  	_ =	swait.ge [sflag:s12], $0x10  }
0x4d: {  	[sflag:s12] =	ssyncset.done $0x0  }
0x4e: {  	[sflag:s12] =	ssyncadd.s32 $0xFFFFFFF0  }
0x4f: {  	v3 =	vld [tilespmem:$0x18780];
	_ =	sdelay $0x1  }
0x50: {  	v4 =	vld [tilespmem:$0x18700];
	_ =	sdelay $0x2  }
0x51: {  	vm0 =	vmmov vm1;
	v5 =	vmov s29;
	v3 =	vmul.u32 $0x3E8, v3  }
0x52: {  	s18 =	sadd.s32 $0x0, s5;
	vm0 =	veq.s32 v5, v1  }
0x53: {  	s18 =	sshrl.u32 s18, $0x3;
	v3 =	vadd.s32 v4, v3  }
0x54: {  	s18 =	smul.u32 $0xC3800, s18  }
0x55: {  	s17 =	sand.u32 $0x380, s29  }
0x56: {  	s17 =	sor.u32 s17, s18  }
0x57: {  	s17 =	sshrl.u32 s17, $0x3  }
0x58: {  	s31 =	sadd.s32 $0x1, s5;
	s17 =	sadd.s32 s3, s17;
	[tilespmem:v3+s1+$0x0] =	vst.idx.msk vm0, v2;
	vm0 =	vmmov vm0  }
0x59: {  	[hbm4b:s17+s14] =	stream.strided.scatter [tilespmem:s1], [sflag:$0x1], $0x18700, s15, s14, $0x38;
	[tilespmem:$0x18800] =	vst v63  }
0x5a: {  	s30 =	simm.s32 $0x1;
	s19 =	sshrl.u32 s31, $0x3;
	_ =	swait.ge [sflag:s12], $0x18700  }
0x5b: {  	s19 =	smul.u32 $0xC3800, s19;
	s18 =	simm.s32 $0x80;
	v4 =	vmov s30;
	[sflag:s12] =	ssyncset.done $0x0  }
0x5c: {  	s20 =	sand.u32 $0x380, s18;
	vm1 =	veq.s32 v4, v1;
	s17 =	simm.s32 $0x2;
	[sflag:s12] =	ssyncadd.s32 $0xFFFE7900  }
.LBB2_6:
0x5d: {  	p0 =	sne.s32 s17, $0xF  }
0x5e: {  	s19 =	sor.u32 s20, s19;
	[tilespmem:v3+s1+$0x0] =	vst.idx.msk vm0, v0;
	vm0 =	vmmov vm1;
	s20 =	smov.u32 s17;
	s17 =	sadd.s32 $0x1, s17  }
0x5f: {  	s19 =	sshrl.u32 s19, $0x3  }
.Ltmp2:
0x60: {  	v4 =	vmov s20;
	s20 =	sadd.s32 s20, s5;
	[tilespmem:v3+s1+$0x0] =	vst.idx.msk vm1, v2;
	s19 =	sadd.s32 s3, s19;
	(pc) =	sbr.rel @p0 .LBB2_6-.Ltmp2, $4  }
0x61: {  	vm1 =	veq.s32 v4, v1;
	[hbm4b:s19+s14] =	stream.strided.scatter [tilespmem:s1], [sflag:$0x1], $0x18700, s15, s14, $0x38;
	[tilespmem:$0x18800] =	vst v63  }
0x62: {  	s19 =	sshrl.u32 s20, $0x3;
	_ =	swait.ge [sflag:s12], $0x18700  }
0x63: {  	s18 =	sadd.s32 $0x80, s18;
	s19 =	smul.u32 $0xC3800, s19;
	[sflag:s12] =	ssyncset.done $0x0  }
0x64: {  	s20 =	sand.u32 $0x380, s18;
	[sflag:s12] =	ssyncadd.s32 $0xFFFE7900  }
0x65: {  	_ =	sdelay $0x3  }
0x66: {  	s17 =	sor.u32 s20, s19  }
0x67: {  	[tilespmem:v3+s1+$0x0] =	vst.idx.msk vm0, v0;
	s16 =	sadd.s32 $0x1, s16;
	s17 =	sshrl.u32 s17, $0x3  }
0x68: {  	[tilespmem:v3+s1+$0x0] =	vst.idx.msk vm1, v2;
	p0 =	sne.s32 s16, s10;
	s17 =	sadd.s32 s3, s17  }
0x69: {  	[hbm4b:s17+s14] =	stream.strided.scatter [tilespmem:s1], [sflag:$0x1], $0x18700, s15, s14, $0x38;
	[tilespmem:$0x18800] =	vst v63  }
.Ltmp3:
0x6a: {  	_ = 	snop;
	(pc) =	sbr.rel @p0 .LBB2_1-.Ltmp3, $4  }
0x6b: {  	_ =	swait.ge [sflag:s12], $0x18700  }
0x6c: {  	[sflag:s12] =	ssyncset.done $0x0  }
0x6d: {  	[sflag:s12] =	ssyncadd.s32 $0xFFFE7900  }
0x6e: {  	vm15 =	vmmov vm1;
	[tilespmem:v3+s1+$0x0] =	vst.idx.msk vm1, v0  }
0x6f: {  	_ =	sfence.sel $0x180000  }
0x70: {  	[bflag:$0x0] =	sbarrier.arrive $0xFFFF  }
0x71: {  	p0 =	sne.s32 s2, $0x0;
	_ =	strace $0x90000047  }
0x72: {  	s0 =	sadd.s32 @!p0 $0x100000, s0;
	[bflag:$0x2] =	sbarrier.arrive $0xFFFF  }
0x73: {  	[sflag:s0] =	ssyncadd.tile.s32 @!p0 $0x1;
	_ =	shalt  }
.Lfunc_end2:
_tile_overlayer_lowered:
.L_overlay_start_2:
0x74: {  	(tag) =	ssettag $0x2  }
0x75: {  	s0 =	rddreg [dreg:$0x0];
	s2 =	stileid.u32  }
0x76: {  	s1 =	rddreg [dreg:$0x1];
	p0 =	sne.s32 s2, $0x0  }
0x77: {  	s3 =	rddreg [dreg:$0x2];
	[bflag:$0x3] =	sbarrier.arrive $0xFFFF;
	s2 =	simm.s32 @!p0 $0x1C01  }
0x78: {  	[timem:s3], [sflag:s2] =	dma.local @!p0 [hbm:s0], s1  }
0x79: {  	s0 =	simm.s32 @!p0 $0x1  }
0x7a: {  	_ =	swait.ge @!p0 [sflag:s0], s1  }
0x7b: {  	s1 =	ssub.s32 @!p0 $0x0, s1;
	[sflag:s0] =	ssyncset.done @!p0 $0x0  }
0x7c: {  	[sflag:s0] =	ssyncadd.s32 @!p0 s1  }
0x7d: {  	[bflag:$0x3] =	sbarrier.arrive $0xFFFF  }
0x7e: {  	_ =	shalt  }

</sc_bundles>
